<compile_context>
chip_gen: v7x
topology: tpu7x:2x2x1
jax: 0.10.2.dev20260603
libtpu: 0.0.44.dev20260713+nightly
codegen_flags: <defaults>
</compile_context>

<pallas_src>
import functools

import jax
import jax.numpy as jnp
from jax import lax
from jax.experimental import pallas as pl
from jax.experimental.pallas import tpu as pltpu
from jax.experimental.pallas import tpu_sc as plsc

N = 50000
E = 800000
DIN = 78
DPAD = 80
DH = 156
DE = 32
G = 256

NC = 2
NS = 16
LANES = 16

CH = 5
EB = 1250
NSTR = 10
IPS = 125
NBLK = E // EB
NP8 = 50048
ROWS_PER_TILE = NP8 // NS
ZROWS = IPS

def _sc_mesh():
    return plsc.VectorSubcoreMesh(core_axis_name="c", subcore_axis_name="s",
                                  num_cores=NC, num_subcores=NS)


def _zero_spmem(spmem, zbuf, s):
    base = s * ROWS_PER_TILE
    pltpu.sync_copy(zbuf.at[pl.ds(0, 1248)], spmem.at[pl.ds(base, 1248)])
    pltpu.sync_copy(zbuf.at[pl.ds(0, 1248)], spmem.at[pl.ds(base + 1248, 1248)])
    pltpu.sync_copy(zbuf.at[pl.ds(0, 632)], spmem.at[pl.ds(base + 2496, 632)])


def _fill_rows(buf, val):
    @pl.loop(0, buf.shape[0])
    def _(i):
        buf[i] = jnp.full((LANES,), val, jnp.float32)


def _deg_body(dstb, degp, spmem, obuf, zbuf, didx0, didx1, isem0, isem1,
              ssem0, ssem1):
    c = lax.axis_index("c")
    s = lax.axis_index("s")
    wid = c * NS + s
    didx = (didx0, didx1)
    isem = (isem0, isem1)
    ssem = (ssem0, ssem1)

    _fill_rows(obuf, 1.0)
    _fill_rows(zbuf, 0.0)
    _zero_spmem(spmem, zbuf, s)
    plsc.subcore_barrier()

    per_tile = NBLK // (NC * NS)
    b0 = wid * per_tile

    def fire_scatters(k):
        @pl.loop(0, NSTR)
        def _(j):
            pltpu.async_copy(obuf, spmem.at[didx[k].at[j]], ssem[k], add=True)

    def drain_scatters(k):
        @pl.loop(0, NSTR)
        def _(j):
            pltpu.make_async_copy(obuf, spmem.at[didx[k].at[j]], ssem[k]).wait()

    pltpu.async_copy(dstb.at[b0], didx[0], isem[0])

    @pl.loop(0, per_tile, step=2)
    def _(bb):
        for k in (0, 1):
            b = bb + k
            blk = b0 + b
            pltpu.make_async_copy(dstb.at[blk], didx[k], isem[k]).wait()
            fire_scatters(k)
            if k == 0:
                @pl.when(bb > 0)
                def _():
                    drain_scatters(1)
                pltpu.async_copy(dstb.at[blk + 1], didx[1], isem[1])
            else:
                drain_scatters(0)

                @pl.when(bb + 2 < per_tile)
                def _():
                    pltpu.async_copy(dstb.at[blk + 1], didx[0], isem[0])

    drain_scatters(1)
    plsc.subcore_barrier()
    pltpu.sync_copy(spmem.at[pl.ds(s * ROWS_PER_TILE, ROWS_PER_TILE)],
                    degp.at[c].at[pl.ds(s * ROWS_PER_TILE, ROWS_PER_TILE)])


_SC_PARAMS = pltpu.CompilerParams(use_tc_tiling_on_sc=False)


@jax.jit
def _deg_kernel(dstb):
    return pl.kernel(
        _deg_body,
        compiler_params=_SC_PARAMS,
        out_type=jax.ShapeDtypeStruct((NC, NP8, LANES), jnp.float32),
        mesh=_sc_mesh(),
        scratch_types=[
            pltpu.VMEM_SHARED((NP8, LANES), jnp.float32),
            pltpu.VMEM((ZROWS, LANES), jnp.float32),
            pltpu.VMEM((1248, LANES), jnp.float32),
            pltpu.VMEM((NSTR, IPS), jnp.int32),
            pltpu.VMEM((NSTR, IPS), jnp.int32),
            pltpu.SemaphoreType.DMA,
            pltpu.SemaphoreType.DMA,
            pltpu.SemaphoreType.DMA,
            pltpu.SemaphoreType.DMA,
        ],
    )(dstb)


def _agg_body(ytab, srcb, dstb, agg, spmem, sidx0, sidx1, didx0, didx1,
              rows0, rows1, isem0, isem1, gsem0, gsem1, ssem0, ssem1):
    c = lax.axis_index("c")
    s = lax.axis_index("s")
    sidx = (sidx0, sidx1)
    didx = (didx0, didx1)
    rows = (rows0, rows1)
    isem = (isem0, isem1)
    gsem = (gsem0, gsem1)
    ssem = (ssem0, ssem1)

    is0 = c == 0
    tabs = (jnp.where(is0, 0, 3), jnp.where(is0, 1, 4), jnp.where(is0, 2, 2))
    slots = (jnp.where(is0, 0, 3), jnp.where(is0, 1, 4), jnp.where(is0, 2, 5))
    bases = (0, 0, jnp.where(is0, 0, NBLK // 2))
    per_tiles = (NBLK // NS, NBLK // NS, (NBLK // 2) // NS)

    for tab, slot, base, per_tile in zip(tabs, slots, bases, per_tiles):
        ytab_t = ytab.at[tab]
        _fill_rows(rows0, 0.0)
        _zero_spmem(spmem, rows0, s)
        plsc.subcore_barrier()
        tile_b0 = base + s * per_tile

        def fetch_idx(blk, k):
            pltpu.async_copy(srcb.at[blk], sidx[k], isem[k])
            pltpu.async_copy(dstb.at[blk], didx[k], isem[k])

        def wait_idx(blk, k):
            pltpu.make_async_copy(srcb.at[blk], sidx[k], isem[k]).wait()
            pltpu.make_async_copy(dstb.at[blk], didx[k], isem[k]).wait()

        def fire_gathers(k):
            @pl.loop(0, NSTR)
            def _(j):
                pltpu.async_copy(ytab_t.at[sidx[k].at[j]],
                                 rows[k].at[pl.ds(j * IPS, IPS)], gsem[k])

        def drain_gathers(k):
            @pl.loop(0, NSTR)
            def _(j):
                pltpu.make_async_copy(ytab_t.at[sidx[k].at[j]],
                                      rows[k].at[pl.ds(j * IPS, IPS)],
                                      gsem[k]).wait()

        def fire_scatters(k):
            @pl.loop(0, NSTR)
            def _(j):
                pltpu.async_copy(rows[k].at[pl.ds(j * IPS, IPS)],
                                 spmem.at[didx[k].at[j]], ssem[k], add=True)

        def drain_scatters(k):
            @pl.loop(0, NSTR)
            def _(j):
                pltpu.make_async_copy(rows[k].at[pl.ds(j * IPS, IPS)],
                                      spmem.at[didx[k].at[j]], ssem[k]).wait()

        fetch_idx(tile_b0, 0)

        @pl.loop(0, per_tile, step=2)
        def _(bb):
            for k in (0, 1):
                b = bb + k
                blk = tile_b0 + b
                wait_idx(blk, k)
                fire_gathers(k)
                if k == 0:
                    @pl.when(bb > 0)
                    def _():
                        drain_scatters(1)
                    fetch_idx(blk + 1, 1)
                else:
                    drain_scatters(0)

                    @pl.when(bb + 2 < per_tile)
                    def _():
                        fetch_idx(blk + 1, 0)
                drain_gathers(k)
                fire_scatters(k)

        drain_scatters(1)
        plsc.subcore_barrier()
        pltpu.sync_copy(spmem.at[pl.ds(s * ROWS_PER_TILE, ROWS_PER_TILE)],
                        agg.at[slot].at[pl.ds(s * ROWS_PER_TILE, ROWS_PER_TILE)])
        plsc.subcore_barrier()


@jax.jit
def _agg_kernel(ytab, srcb, dstb):
    return pl.kernel(
        _agg_body,
        compiler_params=_SC_PARAMS,
        out_type=jax.ShapeDtypeStruct((6, NP8, LANES), jnp.float32),
        mesh=_sc_mesh(),
        scratch_types=[
            pltpu.VMEM_SHARED((NP8, LANES), jnp.float32),
            pltpu.VMEM((NSTR, IPS), jnp.int32),
            pltpu.VMEM((NSTR, IPS), jnp.int32),
            pltpu.VMEM((NSTR, IPS), jnp.int32),
            pltpu.VMEM((NSTR, IPS), jnp.int32),
            pltpu.VMEM((EB, LANES), jnp.float32),
            pltpu.VMEM((EB, LANES), jnp.float32),
            pltpu.SemaphoreType.DMA,
            pltpu.SemaphoreType.DMA,
            pltpu.SemaphoreType.DMA,
            pltpu.SemaphoreType.DMA,
            pltpu.SemaphoreType.DMA,
            pltpu.SemaphoreType.DMA,
        ],
    )(ytab, srcb, dstb)


RB = 2944
NBB = NP8 // RB
RBP = RB // 8
NROWS_P = NP8 // 8


def _prep_body(deg_ref, x_ref, y_ref, dinv_ref):
    degs = deg_ref[0] + deg_ref[1] + 1.0
    dinv = lax.rsqrt(degs)
    dinv_ref[...] = dinv
    x3 = x_ref[...]
    for t in range(CH):
        pieces = []
        for k in range(8):
            lo = t * LANES
            hi = min((t + 1) * LANES, DIN)
            xk = x3[:, k, lo:hi]
            if hi - lo < LANES:
                xk = jnp.concatenate(
                    [xk, jnp.zeros((RBP, LANES - (hi - lo)), jnp.float32)], axis=1)
            pieces.append(xk * dinv[:, k * LANES:k * LANES + 1])
        y_ref[t] = jnp.concatenate(pieces, axis=1)


@jax.jit
def _prep_kernel(degp_p, x3):
    return pl.pallas_call(
        _prep_body,
        grid=(NBB,),
        in_specs=[
            pl.BlockSpec((NC, RBP, 128), lambda i: (0, i, 0)),
            pl.BlockSpec((RBP, 8, DIN), lambda i: (i, 0, 0)),
        ],
        out_specs=[
            pl.BlockSpec((CH, RBP, 128), lambda i: (0, i, 0)),
            pl.BlockSpec((RBP, 128), lambda i: (i, 0)),
        ],
        out_shape=[
            jax.ShapeDtypeStruct((CH, NROWS_P, 128), jnp.float32),
            jax.ShapeDtypeStruct((NROWS_P, 128), jnp.float32),
        ],
    )(degp_p, x3)


RD = 1088
NBD = NP8 // RD
RDP = RD // 8


def _head_body(gf_ref, gl_ref, agg_ref, y_ref, dinv_ref, batch_ref,
               w1_ref, b1_ref, w2_ref, b2_ref, out_ref, pooled):
    i = pl.program_id(0)

    @pl.when(i == 0)
    def _():
        pooled[...] = jnp.zeros_like(pooled)

    packed = [agg_ref[0] + y_ref[0], agg_ref[1] + y_ref[1],
              agg_ref[2] + agg_ref[5] + y_ref[2],
              agg_ref[3] + y_ref[3], agg_ref[4] + y_ref[4]]
    dinv = dinv_ref[...]
    bat = batch_ref[...]
    pres = []
    bats = []
    for k in range(8):
        pre_k = jnp.concatenate(
            [p[:, k * LANES:(k + 1) * LANES] for p in packed], axis=1)
        pres.append(pre_k * dinv[:, k * LANES:k * LANES + 1])
        bats.append(bat[:, k:k + 1])
    pre = jnp.reshape(jnp.stack(pres, axis=1), (RD, DPAD))
    h = jnp.dot(pre, w1_ref[...], preferred_element_type=jnp.float32,
                precision=lax.Precision.HIGHEST)
    h = jnp.maximum(h + b1_ref[...], 0.0)

    rid = i * RD + lax.broadcasted_iota(jnp.int32, (RD, 1), 0)
    h = jnp.where(rid < N, h, 0.0)

    bcol = jnp.reshape(jnp.stack(bats, axis=1), (RD, 1))
    g0 = gf_ref[i]
    g1 = gl_ref[i]

    def upd(kk, _):
        g = g0 + kk
        m = bcol == g
        colmax = jnp.max(jnp.where(m, h, 0.0), axis=0)[None, None, :]
        pooled[pl.ds(g, 1)] = jnp.maximum(pooled[pl.ds(g, 1)], colmax)
        return 0

    lax.fori_loop(0, g1 - g0 + 1, upd, 0)

    @pl.when(i == NBD - 1)
    def _():
        pool2d = pooled[...][:, 0, :]
        o = jnp.dot(pool2d, w2_ref[...], preferred_element_type=jnp.float32,
                    precision=lax.Precision.HIGHEST)
        out_ref[...] = jnp.maximum(o + b2_ref[...], 0.0)


@jax.jit
def _head_kernel(gf, gl, agg, ytab, dinv, batchcol, w1p, b1r, w2, b2r):
    grid_spec = pltpu.PrefetchScalarGridSpec(
        num_scalar_prefetch=2,
        grid=(NBD,),
        in_specs=[
            pl.BlockSpec((6, RDP, 128), lambda i, *_: (0, i, 0)),
            pl.BlockSpec((CH, RDP, 128), lambda i, *_: (0, i, 0)),
            pl.BlockSpec((RDP, 128), lambda i, *_: (i, 0)),
            pl.BlockSpec((RDP, 8), lambda i, *_: (i, 0)),
            pl.BlockSpec((DPAD, DH), lambda i, *_: (0, 0)),
            pl.BlockSpec((1, DH), lambda i, *_: (0, 0)),
            pl.BlockSpec((DH, DE), lambda i, *_: (0, 0)),
            pl.BlockSpec((1, DE), lambda i, *_: (0, 0)),
        ],
        out_specs=pl.BlockSpec((G, DE), lambda i, *_: (0, 0)),
        scratch_shapes=[pltpu.VMEM((G, 1, DH), jnp.float32)],
    )
    return pl.pallas_call(
        _head_body,
        grid_spec=grid_spec,
        out_shape=jax.ShapeDtypeStruct((G, DE), jnp.float32),
    )(gf, gl, agg, ytab, dinv, batchcol, w1p, b1r, w2, b2r)


def kernel(x, edge_index, batch, W1, b1, W2, b2):
    src = edge_index[0].astype(jnp.int32).reshape(NBLK, NSTR, IPS)
    dst = edge_index[1].astype(jnp.int32).reshape(NBLK, NSTR, IPS)
    xp3 = jnp.pad(x, ((0, NP8 - N), (0, 0))).reshape(NROWS_P, 8, DIN)
    batch32 = jnp.pad(batch.astype(jnp.int32), (0, NP8 - N), mode="edge")
    batch_p = batch32.reshape(NROWS_P, 8)
    gf = batch32[::RD]
    gl = batch32[RD - 1::RD]
    w1p = jnp.concatenate([W1, jnp.zeros((DPAD - DIN, DH), jnp.float32)], axis=0)

    degp = _deg_kernel(dst)
    ytab_p, dinv_p = _prep_kernel(degp.reshape(NC, NROWS_P, 128), xp3)
    agg = _agg_kernel(ytab_p.reshape(CH, NP8, LANES), src, dst)
    return _head_kernel(gf, gl, agg.reshape(6, NROWS_P, 128), ytab_p, dinv_p,
                        batch_p, w1p, b1.reshape(1, DH), W2, b2.reshape(1, DE))

# --- scband reference (transcript-rebuilt; emitter-appended) ---
"""Pipeline reference for scband-gcnnet-79680233275798 (READ-ONLY COPY).

The authoritative reference and input builder live on the scoring server;
editing this copy changes nothing except your own understanding.
"""

import jax, jax.numpy as jnp
import numpy as np

N_NODES = 50000
N_EDGES = 800000
D_IN = 78
D_HID = 156
D_EMB = 32
N_GRAPHS = 256


def setup_inputs(seed: int = 0) -> dict:
    key = jax.random.key(seed)
    k1, k2, k3, k4, k5, k6, k7 = jax.random.split(key, 7)
    x = jax.random.normal(k1, (N_NODES, D_IN), dtype=jnp.float32)
    edge_index = jax.random.randint(k2, (2, N_EDGES), 0, N_NODES, dtype=jnp.int64)
    batch = jnp.sort(jax.random.randint(k3, (N_NODES,), 0, N_GRAPHS, dtype=jnp.int64))
    # Learned parameters (GCNConv 78->156, Linear 156->32)
    W1 = jax.random.normal(k4, (D_IN, D_HID), dtype=jnp.float32) / np.sqrt(D_IN)
    b1 = jnp.zeros((D_HID,), dtype=jnp.float32)
    W2 = jax.random.normal(k5, (D_HID, D_EMB), dtype=jnp.float32) / np.sqrt(D_HID)
    b2 = jnp.zeros((D_EMB,), dtype=jnp.float32)
    return {"x": x, "edge_index": edge_index, "batch": batch, "W1": W1, "b1": b1, "W2": W2, "b2": b2}


def _gcn_conv(x, edge_index, W, b, num_nodes):
    # PyG-style GCNConv: add self loops, symmetric deg normalization,
    # linear transform, scatter-add aggregation, bias after aggregation.
    src = edge_index[0]
    dst = edge_index[1]
    loop = jnp.arange(num_nodes, dtype=edge_index.dtype)
    src = jnp.concatenate([src, loop])
    dst = jnp.concatenate([dst, loop])
    ones = jnp.ones(src.shape[0], dtype=x.dtype)
    deg = jax.ops.segment_sum(ones, dst, num_segments=num_nodes)
    deg_inv_sqrt = jnp.where(deg > 0, 1.0 / jnp.sqrt(deg), 0.0)
    norm = deg_inv_sqrt[src] * deg_inv_sqrt[dst]
    xw = x @ W
    msgs = norm[:, None] * jnp.take(xw, src, axis=0)
    out = jax.ops.segment_sum(msgs, dst, num_segments=num_nodes)
    return out + b


def reference(x, edge_index, batch, W1, b1, W2, b2):
    h = _gcn_conv(x, edge_index, W1, b1, N_NODES)
    h = jax.nn.relu(h)
    # dropout is identity in eval / deterministic reference
    pooled = jax.ops.segment_max(h, batch, num_segments=N_GRAPHS)
    pooled = jnp.where(jnp.isfinite(pooled), pooled, 0.0)
    out = jax.nn.relu(pooled @ W2 + b2)
    return out

if __name__ == "__main__":
    import jax
    _d = setup_inputs()
    print(jax.jit(kernel)(*tuple(_d.values())))

</pallas_src>

<mosaic_0001>
#map = affine_map<(d0, d1) -> (0, 0, 0)>
module attributes {stable_mosaic.version = 14 : i64} {
  func.func @_deg_body(%arg0: i32, %arg1: i32, %arg2: memref<640x10x125xi32, #tpu.memory_space<hbm>>, %arg3: memref<2x50048x16xf32, #tpu.memory_space<hbm>>, %arg4: memref<50048x16xf32, #tpu.memory_space<vmem_shared>>, %arg5: memref<125x16xf32, #tpu.memory_space<vmem>>, %arg6: memref<1248x16xf32, #tpu.memory_space<vmem>>, %arg7: memref<10x125xi32, #tpu.memory_space<vmem>>, %arg8: memref<10x125xi32, #tpu.memory_space<vmem>>, %arg9: memref<!tpu.dma_semaphore, #tpu.memory_space<semaphore_mem>>, %arg10: memref<!tpu.dma_semaphore, #tpu.memory_space<semaphore_mem>>, %arg11: memref<!tpu.dma_semaphore, #tpu.memory_space<semaphore_mem>>, %arg12: memref<!tpu.dma_semaphore, #tpu.memory_space<semaphore_mem>>) attributes {dimension_semantics = [#tpu.dimension_semantics<core_parallel>, #tpu.dimension_semantics<subcore_parallel>], iteration_bounds = array<i64: 2, 16>, scalar_prefetch = 0 : i64, scratch_operands = 9 : i64, tpu.core_type = #tpu.core_type<sc_vector_subcore>, window_params = [{transform_indices = #map}, {transform_indices = #map}]} {
    %mul3A = arith.constant 16 : i32
    %mul3A_0 = arith.muli %arg0, %mul3A : i32
    %add3A = arith.addi %mul3A_0, %arg1 : i32
    %scan3A = arith.constant 0 : i32
    %scan3A_1 = arith.constant 125 : i32
    %scan3A_2 = arith.addi %scan3A, %scan3A_1 : i32
    %scan3A_3 = arith.constant 1 : i32
    scf.for %scan3A_40 = %scan3A to %scan3A_2 step %scan3A_3  : i32 {
      %mul3A_41 = arith.constant 1 : i32
      %mul3A_42 = arith.muli %scan3A_40, %mul3A_41 : i32
      %add3A_43 = arith.constant 0 : i32
      %add3A_44 = arith.addi %add3A_43, %mul3A_42 : i32
      %broadcast_in_dim3A = arith.constant 1.000000e+00 : f32
      %broadcast_in_dim3A_45 = vector.broadcast %broadcast_in_dim3A : f32 to vector<16xf32>
      %swap3A = arith.index_cast %add3A_44 : i32 to index
      %swap3A_46 = arith.constant 0 : index
      %swap3A_47 = tpu.vector_load %arg5[%swap3A, %swap3A_46] {strides = array<i32>} : memref<125x16xf32, #tpu.memory_space<vmem>>, vector<1x16xf32>,
      %swap3A_48 = vector.shape_cast %swap3A_47 : vector<1x16xf32> to vector<16xf32>
      %swap3A_49 = vector.shape_cast %broadcast_in_dim3A_45 : vector<16xf32> to vector<1x16xf32>
      tpu.vector_store %arg5[%swap3A, %swap3A_46], %swap3A_49 {strides = array<i32>} : memref<125x16xf32, #tpu.memory_space<vmem>>, vector<1x16xf32>,
    }
    %scan3A_4 = arith.constant 125 : i32
    %scan3A_5 = arith.constant 0 : i32
    %scan3A_6 = arith.constant 1248 : i32
    %scan3A_7 = arith.addi %scan3A_5, %scan3A_6 : i32
    %scan3A_8 = arith.constant 1 : i32
    scf.for %scan3A_40 = %scan3A_5 to %scan3A_7 step %scan3A_8  : i32 {
      %mul3A_41 = arith.constant 1 : i32
      %mul3A_42 = arith.muli %scan3A_40, %mul3A_41 : i32
      %add3A_43 = arith.constant 0 : i32
      %add3A_44 = arith.addi %add3A_43, %mul3A_42 : i32
      %broadcast_in_dim3A = arith.constant 0.000000e+00 : f32
      %broadcast_in_dim3A_45 = vector.broadcast %broadcast_in_dim3A : f32 to vector<16xf32>
      %swap3A = arith.index_cast %add3A_44 : i32 to index
      %swap3A_46 = arith.constant 0 : index
      %swap3A_47 = tpu.vector_load %arg6[%swap3A, %swap3A_46] {strides = array<i32>} : memref<1248x16xf32, #tpu.memory_space<vmem>>, vector<1x16xf32>,
      %swap3A_48 = vector.shape_cast %swap3A_47 : vector<1x16xf32> to vector<16xf32>
      %swap3A_49 = vector.shape_cast %broadcast_in_dim3A_45 : vector<16xf32> to vector<1x16xf32>
      tpu.vector_store %arg6[%swap3A, %swap3A_46], %swap3A_49 {strides = array<i32>} : memref<1248x16xf32, #tpu.memory_space<vmem>>, vector<1x16xf32>,
    }
    %scan3A_9 = arith.constant 1248 : i32
    %mul3A_10 = arith.constant 3128 : i32
    %mul3A_11 = arith.muli %arg1, %mul3A_10 : i32
    "tpu.region"() ({
      %run_scoped3A = tpu.sem_alloc : memref<!tpu.dma_semaphore, #tpu.memory_space<semaphore_mem>>
      %dma_start3A_40 = arith.constant 0 : i32
      %dma_start3A_41 = arith.constant 0 : i32
      %dma_start3A_42 = tpu.memref_slice %arg6[%dma_start3A_40, %dma_start3A_41] : memref<1248x16xf32, #tpu.memory_space<vmem>> -> memref<1248x16xf32, #tpu.memory_space<vmem>>
      %dma_start3A_43 = arith.constant 0 : i32
      %dma_start3A_44 = tpu.memref_slice %arg4[%mul3A_11, %dma_start3A_43] : memref<50048x16xf32, #tpu.memory_space<vmem_shared>> -> memref<1248x16xf32, #tpu.memory_space<vmem_shared>>
      %dma_start3A_45 = arith.constant 0 : i32
      %dma_start3A_46 = tpu.memref_slice %arg4[%mul3A_11, %dma_start3A_45] : memref<50048x16xf32, #tpu.memory_space<vmem_shared>> -> memref<1248x16xf32, #tpu.memory_space<vmem_shared>>
      %dma_start3A_47 = arith.constant 0 : i32
      %dma_start3A_48 = arith.constant 0 : i32
      %dma_start3A_49 = tpu.memref_slice %arg6[%dma_start3A_47, %dma_start3A_48] : memref<1248x16xf32, #tpu.memory_space<vmem>> -> memref<1248x16xf32, #tpu.memory_space<vmem>>
      tpu.enqueue_dma source(%dma_start3A_49 : memref<1248x16xf32, #tpu.memory_space<vmem>>) target(%dma_start3A_46 : memref<1248x16xf32, #tpu.memory_space<vmem_shared>>) target_semaphore(%run_scoped3A : memref<!tpu.dma_semaphore, #tpu.memory_space<semaphore_mem>>)
      %dma_wait3A = arith.constant 0 : i32
      %dma_wait3A_50 = arith.constant 0 : i32
      %dma_wait3A_51 = tpu.memref_slice %arg6[%dma_wait3A, %dma_wait3A_50] : memref<1248x16xf32, #tpu.memory_space<vmem>> -> memref<1248x16xf32, #tpu.memory_space<vmem>>
      %dma_wait3A_52 = arith.constant 0 : i32
      %dma_wait3A_53 = tpu.memref_slice %arg4[%mul3A_11, %dma_wait3A_52] : memref<50048x16xf32, #tpu.memory_space<vmem_shared>> -> memref<1248x16xf32, #tpu.memory_space<vmem_shared>>
      %dma_wait3A_54 = arith.constant 0 : i32
      %dma_wait3A_55 = tpu.memref_slice %arg4[%mul3A_11, %dma_wait3A_54] : memref<50048x16xf32, #tpu.memory_space<vmem_shared>> -> memref<1248x16xf32, #tpu.memory_space<vmem_shared>>
      %dma_wait3A_56 = arith.constant 0 : i32
      %dma_wait3A_57 = arith.constant 0 : i32
      %dma_wait3A_58 = tpu.memref_slice %arg6[%dma_wait3A_56, %dma_wait3A_57] : memref<1248x16xf32, #tpu.memory_space<vmem>> -> memref<1248x16xf32, #tpu.memory_space<vmem>>
      tpu.wait_dma2 semaphore(%run_scoped3A : memref<!tpu.dma_semaphore, #tpu.memory_space<semaphore_mem>>) src(%dma_wait3A_58 : memref<1248x16xf32, #tpu.memory_space<vmem>>) dst(%dma_wait3A_55 : memref<1248x16xf32, #tpu.memory_space<vmem_shared>>)
      tpu.yield
    }) : () -> ()
    %add3A_12 = arith.constant 1248 : i32
    %add3A_13 = arith.addi %mul3A_11, %add3A_12 : i32
    "tpu.region"() ({
      %run_scoped3A = tpu.sem_alloc : memref<!tpu.dma_semaphore, #tpu.memory_space<semaphore_mem>>
      %dma_start3A_40 = arith.constant 0 : i32
      %dma_start3A_41 = arith.constant 0 : i32
      %dma_start3A_42 = tpu.memref_slice %arg6[%dma_start3A_40, %dma_start3A_41] : memref<1248x16xf32, #tpu.memory_space<vmem>> -> memref<1248x16xf32, #tpu.memory_space<vmem>>
      %dma_start3A_43 = arith.constant 0 : i32
      %dma_start3A_44 = tpu.memref_slice %arg4[%add3A_13, %dma_start3A_43] : memref<50048x16xf32, #tpu.memory_space<vmem_shared>> -> memref<1248x16xf32, #tpu.memory_space<vmem_shared>>
      %dma_start3A_45 = arith.constant 0 : i32
      %dma_start3A_46 = tpu.memref_slice %arg4[%add3A_13, %dma_start3A_45] : memref<50048x16xf32, #tpu.memory_space<vmem_shared>> -> memref<1248x16xf32, #tpu.memory_space<vmem_shared>>
      %dma_start3A_47 = arith.constant 0 : i32
      %dma_start3A_48 = arith.constant 0 : i32
      %dma_start3A_49 = tpu.memref_slice %arg6[%dma_start3A_47, %dma_start3A_48] : memref<1248x16xf32, #tpu.memory_space<vmem>> -> memref<1248x16xf32, #tpu.memory_space<vmem>>
      tpu.enqueue_dma source(%dma_start3A_49 : memref<1248x16xf32, #tpu.memory_space<vmem>>) target(%dma_start3A_46 : memref<1248x16xf32, #tpu.memory_space<vmem_shared>>) target_semaphore(%run_scoped3A : memref<!tpu.dma_semaphore, #tpu.memory_space<semaphore_mem>>)
      %dma_wait3A = arith.constant 0 : i32
      %dma_wait3A_50 = arith.constant 0 : i32
      %dma_wait3A_51 = tpu.memref_slice %arg6[%dma_wait3A, %dma_wait3A_50] : memref<1248x16xf32, #tpu.memory_space<vmem>> -> memref<1248x16xf32, #tpu.memory_space<vmem>>
      %dma_wait3A_52 = arith.constant 0 : i32
      %dma_wait3A_53 = tpu.memref_slice %arg4[%add3A_13, %dma_wait3A_52] : memref<50048x16xf32, #tpu.memory_space<vmem_shared>> -> memref<1248x16xf32, #tpu.memory_space<vmem_shared>>
      %dma_wait3A_54 = arith.constant 0 : i32
      %dma_wait3A_55 = tpu.memref_slice %arg4[%add3A_13, %dma_wait3A_54] : memref<50048x16xf32, #tpu.memory_space<vmem_shared>> -> memref<1248x16xf32, #tpu.memory_space<vmem_shared>>
      %dma_wait3A_56 = arith.constant 0 : i32
      %dma_wait3A_57 = arith.constant 0 : i32
      %dma_wait3A_58 = tpu.memref_slice %arg6[%dma_wait3A_56, %dma_wait3A_57] : memref<1248x16xf32, #tpu.memory_space<vmem>> -> memref<1248x16xf32, #tpu.memory_space<vmem>>
      tpu.wait_dma2 semaphore(%run_scoped3A : memref<!tpu.dma_semaphore, #tpu.memory_space<semaphore_mem>>) src(%dma_wait3A_58 : memref<1248x16xf32, #tpu.memory_space<vmem>>) dst(%dma_wait3A_55 : memref<1248x16xf32, #tpu.memory_space<vmem_shared>>)
      tpu.yield
    }) : () -> ()
    %add3A_14 = arith.constant 2496 : i32
    %add3A_15 = arith.addi %mul3A_11, %add3A_14 : i32
    "tpu.region"() ({
      %run_scoped3A = tpu.sem_alloc : memref<!tpu.dma_semaphore, #tpu.memory_space<semaphore_mem>>
      %dma_start3A_40 = arith.constant 0 : i32
      %dma_start3A_41 = arith.constant 0 : i32
      %dma_start3A_42 = tpu.memref_slice %arg6[%dma_start3A_40, %dma_start3A_41] : memref<1248x16xf32, #tpu.memory_space<vmem>> -> memref<632x16xf32, #tpu.memory_space<vmem>>
      %dma_start3A_43 = arith.constant 0 : i32
      %dma_start3A_44 = tpu.memref_slice %arg4[%add3A_15, %dma_start3A_43] : memref<50048x16xf32, #tpu.memory_space<vmem_shared>> -> memref<632x16xf32, #tpu.memory_space<vmem_shared>>
      %dma_start3A_45 = arith.constant 0 : i32
      %dma_start3A_46 = tpu.memref_slice %arg4[%add3A_15, %dma_start3A_45] : memref<50048x16xf32, #tpu.memory_space<vmem_shared>> -> memref<632x16xf32, #tpu.memory_space<vmem_shared>>
      %dma_start3A_47 = arith.constant 0 : i32
      %dma_start3A_48 = arith.constant 0 : i32
      %dma_start3A_49 = tpu.memref_slice %arg6[%dma_start3A_47, %dma_start3A_48] : memref<1248x16xf32, #tpu.memory_space<vmem>> -> memref<632x16xf32, #tpu.memory_space<vmem>>
      tpu.enqueue_dma source(%dma_start3A_49 : memref<632x16xf32, #tpu.memory_space<vmem>>) target(%dma_start3A_46 : memref<632x16xf32, #tpu.memory_space<vmem_shared>>) target_semaphore(%run_scoped3A : memref<!tpu.dma_semaphore, #tpu.memory_space<semaphore_mem>>)
      %dma_wait3A = arith.constant 0 : i32
      %dma_wait3A_50 = arith.constant 0 : i32
      %dma_wait3A_51 = tpu.memref_slice %arg6[%dma_wait3A, %dma_wait3A_50] : memref<1248x16xf32, #tpu.memory_space<vmem>> -> memref<632x16xf32, #tpu.memory_space<vmem>>
      %dma_wait3A_52 = arith.constant 0 : i32
      %dma_wait3A_53 = tpu.memref_slice %arg4[%add3A_15, %dma_wait3A_52] : memref<50048x16xf32, #tpu.memory_space<vmem_shared>> -> memref<632x16xf32, #tpu.memory_space<vmem_shared>>
      %dma_wait3A_54 = arith.constant 0 : i32
      %dma_wait3A_55 = tpu.memref_slice %arg4[%add3A_15, %dma_wait3A_54] : memref<50048x16xf32, #tpu.memory_space<vmem_shared>> -> memref<632x16xf32, #tpu.memory_space<vmem_shared>>
      %dma_wait3A_56 = arith.constant 0 : i32
      %dma_wait3A_57 = arith.constant 0 : i32
      %dma_wait3A_58 = tpu.memref_slice %arg6[%dma_wait3A_56, %dma_wait3A_57] : memref<1248x16xf32, #tpu.memory_space<vmem>> -> memref<632x16xf32, #tpu.memory_space<vmem>>
      tpu.wait_dma2 semaphore(%run_scoped3A : memref<!tpu.dma_semaphore, #tpu.memory_space<semaphore_mem>>) src(%dma_wait3A_58 : memref<632x16xf32, #tpu.memory_space<vmem>>) dst(%dma_wait3A_55 : memref<632x16xf32, #tpu.memory_space<vmem_shared>>)
      tpu.yield
    }) : () -> ()
    %barrier3A = arith.constant 0 : index
    tpu.barrier barrier_id(%barrier3A)
    %mul3A_16 = arith.constant 20 : i32
    %mul3A_17 = arith.muli %add3A, %mul3A_16 : i32
    %dma_start3A = arith.constant 0 : i32
    %dma_start3A_18 = arith.constant 0 : i32
    %dma_start3A_19 = tpu.memref_slice %arg2[%mul3A_17, %dma_start3A, %dma_start3A_18] : memref<640x10x125xi32, #tpu.memory_space<hbm>> -> memref<1x10x125xi32, #tpu.memory_space<hbm>>
    %dma_start3A_20 = tpu.memref_squeeze %dma_start3A_19 : memref<1x10x125xi32, #tpu.memory_space<hbm>> -> memref<10x125xi32, #tpu.memory_space<hbm>>
    %dma_start3A_21 = arith.constant 0 : i32
    %dma_start3A_22 = arith.constant 0 : i32
    %dma_start3A_23 = tpu.memref_slice %arg2[%mul3A_17, %dma_start3A_21, %dma_start3A_22] : memref<640x10x125xi32, #tpu.memory_space<hbm>> -> memref<1x10x125xi32, #tpu.memory_space<hbm>>
    %dma_start3A_24 = tpu.memref_squeeze %dma_start3A_23 : memref<1x10x125xi32, #tpu.memory_space<hbm>> -> memref<10x125xi32, #tpu.memory_space<hbm>>
    tpu.enqueue_dma source(%dma_start3A_24 : memref<10x125xi32, #tpu.memory_space<hbm>>) target(%arg7 : memref<10x125xi32, #tpu.memory_space<vmem>>) target_semaphore(%arg9 : memref<!tpu.dma_semaphore, #tpu.memory_space<semaphore_mem>>)
    %scan3A_25 = arith.constant 0 : i32
    %scan3A_26 = arith.constant 10 : i32
    %scan3A_27 = arith.addi %scan3A_25, %scan3A_26 : i32
    %scan3A_28 = arith.constant 1 : i32
    scf.for %scan3A_40 = %scan3A_25 to %scan3A_27 step %scan3A_28  : i32 {
      %mul3A_41 = arith.constant 2 : i32
      %mul3A_42 = arith.muli %scan3A_40, %mul3A_41 : i32
      %add3A_43 = arith.constant 0 : i32
      %add3A_44 = arith.addi %add3A_43, %mul3A_42 : i32
      %add3A_45 = arith.constant 0 : i32
      %add3A_46 = arith.addi %add3A_44, %add3A_45 : i32
      %add3A_47 = arith.addi %mul3A_17, %add3A_46 : i32
      %dma_wait3A = arith.constant 0 : i32
      %dma_wait3A_48 = arith.constant 0 : i32
      %dma_wait3A_49 = tpu.memref_slice %arg2[%add3A_47, %dma_wait3A, %dma_wait3A_48] : memref<640x10x125xi32, #tpu.memory_space<hbm>> -> memref<1x10x125xi32, #tpu.memory_space<hbm>>
      %dma_wait3A_50 = tpu.memref_squeeze %dma_wait3A_49 : memref<1x10x125xi32, #tpu.memory_space<hbm>> -> memref<10x125xi32, #tpu.memory_space<hbm>>
      %dma_wait3A_51 = arith.constant 0 : i32
      %dma_wait3A_52 = arith.constant 0 : i32
      %dma_wait3A_53 = tpu.memref_slice %arg2[%add3A_47, %dma_wait3A_51, %dma_wait3A_52] : memref<640x10x125xi32, #tpu.memory_space<hbm>> -> memref<1x10x125xi32, #tpu.memory_space<hbm>>
      %dma_wait3A_54 = tpu.memref_squeeze %dma_wait3A_53 : memref<1x10x125xi32, #tpu.memory_space<hbm>> -> memref<10x125xi32, #tpu.memory_space<hbm>>
      tpu.wait_dma2 semaphore(%arg9 : memref<!tpu.dma_semaphore, #tpu.memory_space<semaphore_mem>>) src(%dma_wait3A_54 : memref<10x125xi32, #tpu.memory_space<hbm>>) dst(%arg7 : memref<10x125xi32, #tpu.memory_space<vmem>>)
      %scan3A_55 = arith.constant 0 : i32
      %scan3A_56 = arith.constant 10 : i32
      %scan3A_57 = arith.addi %scan3A_55, %scan3A_56 : i32
      %scan3A_58 = arith.constant 1 : i32
      scf.for %scan3A_99 = %scan3A_55 to %scan3A_57 step %scan3A_58  : i32 {
        %mul3A_100 = arith.constant 1 : i32
        %mul3A_101 = arith.muli %scan3A_99, %mul3A_100 : i32
        %add3A_102 = arith.constant 0 : i32
        %add3A_103 = arith.addi %add3A_102, %mul3A_101 : i32
        %dma_start3A_104 = arith.constant 0 : i32
        %dma_start3A_105 = tpu.memref_slice %arg7[%add3A_103, %dma_start3A_104] : memref<10x125xi32, #tpu.memory_space<vmem>> -> memref<1x125xi32, #tpu.memory_space<vmem>>
        %dma_start3A_106 = tpu.memref_squeeze %dma_start3A_105 : memref<1x125xi32, #tpu.memory_space<vmem>> -> memref<125xi32, #tpu.memory_space<vmem>>
        %dma_start3A_107 = arith.constant 0 : i32
        %dma_start3A_108 = arith.constant 0 : i32
        %dma_start3A_109 = tpu.memref_slice %arg4[%dma_start3A_107, %dma_start3A_108] : memref<50048x16xf32, #tpu.memory_space<vmem_shared>> -> memref<50048x16xf32, #tpu.memory_space<vmem_shared>>
        tpu.enqueue_indirect_dma source(%arg5 : memref<125x16xf32, #tpu.memory_space<vmem>>) target(%dma_start3A_109 : memref<50048x16xf32, #tpu.memory_space<vmem_shared>>) offsets(%dma_start3A_106 : memref<125xi32, #tpu.memory_space<vmem>>) semaphore(%arg11 : memref<!tpu.dma_semaphore, #tpu.memory_space<semaphore_mem>>) {add = true}
      }
      %scan3A_59 = arith.constant 10 : i32
      %gt3A = arith.constant 0 : i32
      %gt3A_60 = arith.cmpi sgt, %add3A_44, %gt3A : i32
      %convert_element_type3A = arith.extui %gt3A_60 : i1 to i32
      %cond3A = arith.constant 0 : i32
      %cond3A_61 = arith.cmpi ne, %convert_element_type3A, %cond3A : i32
      scf.if %cond3A_61 {
        %scan3A_99 = arith.constant 0 : i32
        %scan3A_100 = arith.constant 10 : i32
        %scan3A_101 = arith.addi %scan3A_99, %scan3A_100 : i32
        %scan3A_102 = arith.constant 1 : i32
        scf.for %scan3A_104 = %scan3A_99 to %scan3A_101 step %scan3A_102  : i32 {
          %mul3A_105 = arith.constant 1 : i32
          %mul3A_106 = arith.muli %scan3A_104, %mul3A_105 : i32
          %add3A_107 = arith.constant 0 : i32
          %add3A_108 = arith.addi %add3A_107, %mul3A_106 : i32
          %dma_wait3A_109 = arith.constant 0 : i32
          %dma_wait3A_110 = tpu.memref_slice %arg8[%add3A_108, %dma_wait3A_109] : memref<10x125xi32, #tpu.memory_space<vmem>> -> memref<1x125xi32, #tpu.memory_space<vmem>>
          %dma_wait3A_111 = tpu.memref_squeeze %dma_wait3A_110 : memref<1x125xi32, #tpu.memory_space<vmem>> -> memref<125xi32, #tpu.memory_space<vmem>>
          %dma_wait3A_112 = arith.constant 0 : i32
          %dma_wait3A_113 = arith.constant 0 : i32
          %dma_wait3A_114 = tpu.memref_slice %arg4[%dma_wait3A_112, %dma_wait3A_113] : memref<50048x16xf32, #tpu.memory_space<vmem_shared>> -> memref<50048x16xf32, #tpu.memory_space<vmem_shared>>
          tpu.wait_indirect_dma semaphore(%arg12 : memref<!tpu.dma_semaphore, #tpu.memory_space<semaphore_mem>>) src(%arg5 : memref<125x16xf32, #tpu.memory_space<vmem>>) dst(%dma_wait3A_114 : memref<50048x16xf32, #tpu.memory_space<vmem_shared>>)
        }
        %scan3A_103 = arith.constant 10 : i32
      } else {
      }
      %add3A_62 = arith.constant 1 : i32
      %add3A_63 = arith.addi %add3A_47, %add3A_62 : i32
      %dma_start3A_64 = arith.constant 0 : i32
      %dma_start3A_65 = arith.constant 0 : i32
      %dma_start3A_66 = tpu.memref_slice %arg2[%add3A_63, %dma_start3A_64, %dma_start3A_65] : memref<640x10x125xi32, #tpu.memory_space<hbm>> -> memref<1x10x125xi32, #tpu.memory_space<hbm>>
      %dma_start3A_67 = tpu.memref_squeeze %dma_start3A_66 : memref<1x10x125xi32, #tpu.memory_space<hbm>> -> memref<10x125xi32, #tpu.memory_space<hbm>>
      %dma_start3A_68 = arith.constant 0 : i32
      %dma_start3A_69 = arith.constant 0 : i32
      %dma_start3A_70 = tpu.memref_slice %arg2[%add3A_63, %dma_start3A_68, %dma_start3A_69] : memref<640x10x125xi32, #tpu.memory_space<hbm>> -> memref<1x10x125xi32, #tpu.memory_space<hbm>>
      %dma_start3A_71 = tpu.memref_squeeze %dma_start3A_70 : memref<1x10x125xi32, #tpu.memory_space<hbm>> -> memref<10x125xi32, #tpu.memory_space<hbm>>
      tpu.enqueue_dma source(%dma_start3A_71 : memref<10x125xi32, #tpu.memory_space<hbm>>) target(%arg8 : memref<10x125xi32, #tpu.memory_space<vmem>>) target_semaphore(%arg10 : memref<!tpu.dma_semaphore, #tpu.memory_space<semaphore_mem>>)
      %add3A_72 = arith.constant 1 : i32
      %add3A_73 = arith.addi %add3A_44, %add3A_72 : i32
      %add3A_74 = arith.addi %mul3A_17, %add3A_73 : i32
      %dma_wait3A_75 = arith.constant 0 : i32
      %dma_wait3A_76 = arith.constant 0 : i32
      %dma_wait3A_77 = tpu.memref_slice %arg2[%add3A_74, %dma_wait3A_75, %dma_wait3A_76] : memref<640x10x125xi32, #tpu.memory_space<hbm>> -> memref<1x10x125xi32, #tpu.memory_space<hbm>>
      %dma_wait3A_78 = tpu.memref_squeeze %dma_wait3A_77 : memref<1x10x125xi32, #tpu.memory_space<hbm>> -> memref<10x125xi32, #tpu.memory_space<hbm>>
      %dma_wait3A_79 = arith.constant 0 : i32
      %dma_wait3A_80 = arith.constant 0 : i32
      %dma_wait3A_81 = tpu.memref_slice %arg2[%add3A_74, %dma_wait3A_79, %dma_wait3A_80] : memref<640x10x125xi32, #tpu.memory_space<hbm>> -> memref<1x10x125xi32, #tpu.memory_space<hbm>>
      %dma_wait3A_82 = tpu.memref_squeeze %dma_wait3A_81 : memref<1x10x125xi32, #tpu.memory_space<hbm>> -> memref<10x125xi32, #tpu.memory_space<hbm>>
      tpu.wait_dma2 semaphore(%arg10 : memref<!tpu.dma_semaphore, #tpu.memory_space<semaphore_mem>>) src(%dma_wait3A_82 : memref<10x125xi32, #tpu.memory_space<hbm>>) dst(%arg8 : memref<10x125xi32, #tpu.memory_space<vmem>>)
      %scan3A_83 = arith.constant 0 : i32
      %scan3A_84 = arith.constant 10 : i32
      %scan3A_85 = arith.addi %scan3A_83, %scan3A_84 : i32
      %scan3A_86 = arith.constant 1 : i32
      scf.for %scan3A_99 = %scan3A_83 to %scan3A_85 step %scan3A_86  : i32 {
        %mul3A_100 = arith.constant 1 : i32
        %mul3A_101 = arith.muli %scan3A_99, %mul3A_100 : i32
        %add3A_102 = arith.constant 0 : i32
        %add3A_103 = arith.addi %add3A_102, %mul3A_101 : i32
        %dma_start3A_104 = arith.constant 0 : i32
        %dma_start3A_105 = tpu.memref_slice %arg8[%add3A_103, %dma_start3A_104] : memref<10x125xi32, #tpu.memory_space<vmem>> -> memref<1x125xi32, #tpu.memory_space<vmem>>
        %dma_start3A_106 = tpu.memref_squeeze %dma_start3A_105 : memref<1x125xi32, #tpu.memory_space<vmem>> -> memref<125xi32, #tpu.memory_space<vmem>>
        %dma_start3A_107 = arith.constant 0 : i32
        %dma_start3A_108 = arith.constant 0 : i32
        %dma_start3A_109 = tpu.memref_slice %arg4[%dma_start3A_107, %dma_start3A_108] : memref<50048x16xf32, #tpu.memory_space<vmem_shared>> -> memref<50048x16xf32, #tpu.memory_space<vmem_shared>>
        tpu.enqueue_indirect_dma source(%arg5 : memref<125x16xf32, #tpu.memory_space<vmem>>) target(%dma_start3A_109 : memref<50048x16xf32, #tpu.memory_space<vmem_shared>>) offsets(%dma_start3A_106 : memref<125xi32, #tpu.memory_space<vmem>>) semaphore(%arg12 : memref<!tpu.dma_semaphore, #tpu.memory_space<semaphore_mem>>) {add = true}
      }
      %scan3A_87 = arith.constant 10 : i32
      %scan3A_88 = arith.constant 0 : i32
      %scan3A_89 = arith.constant 10 : i32
      %scan3A_90 = arith.addi %scan3A_88, %scan3A_89 : i32
      %scan3A_91 = arith.constant 1 : i32
      scf.for %scan3A_99 = %scan3A_88 to %scan3A_90 step %scan3A_91  : i32 {
        %mul3A_100 = arith.constant 1 : i32
        %mul3A_101 = arith.muli %scan3A_99, %mul3A_100 : i32
        %add3A_102 = arith.constant 0 : i32
        %add3A_103 = arith.addi %add3A_102, %mul3A_101 : i32
        %dma_wait3A_104 = arith.constant 0 : i32
        %dma_wait3A_105 = tpu.memref_slice %arg7[%add3A_103, %dma_wait3A_104] : memref<10x125xi32, #tpu.memory_space<vmem>> -> memref<1x125xi32, #tpu.memory_space<vmem>>
        %dma_wait3A_106 = tpu.memref_squeeze %dma_wait3A_105 : memref<1x125xi32, #tpu.memory_space<vmem>> -> memref<125xi32, #tpu.memory_space<vmem>>
        %dma_wait3A_107 = arith.constant 0 : i32
        %dma_wait3A_108 = arith.constant 0 : i32
        %dma_wait3A_109 = tpu.memref_slice %arg4[%dma_wait3A_107, %dma_wait3A_108] : memref<50048x16xf32, #tpu.memory_space<vmem_shared>> -> memref<50048x16xf32, #tpu.memory_space<vmem_shared>>
        tpu.wait_indirect_dma semaphore(%arg11 : memref<!tpu.dma_semaphore, #tpu.memory_space<semaphore_mem>>) src(%arg5 : memref<125x16xf32, #tpu.memory_space<vmem>>) dst(%dma_wait3A_109 : memref<50048x16xf32, #tpu.memory_space<vmem_shared>>)
      }
      %scan3A_92 = arith.constant 10 : i32
      %add3A_93 = arith.constant 2 : i32
      %add3A_94 = arith.addi %add3A_44, %add3A_93 : i32
      %lt3A = arith.constant 20 : i32
      %lt3A_95 = arith.cmpi slt, %add3A_94, %lt3A : i32
      %convert_element_type3A_96 = arith.extui %lt3A_95 : i1 to i32
      %cond3A_97 = arith.constant 0 : i32
      %cond3A_98 = arith.cmpi ne, %convert_element_type3A_96, %cond3A_97 : i32
      scf.if %cond3A_98 {
        %add3A_99 = arith.constant 1 : i32
        %add3A_100 = arith.addi %add3A_74, %add3A_99 : i32
        %dma_start3A_101 = arith.constant 0 : i32
        %dma_start3A_102 = arith.constant 0 : i32
        %dma_start3A_103 = tpu.memref_slice %arg2[%add3A_100, %dma_start3A_101, %dma_start3A_102] : memref<640x10x125xi32, #tpu.memory_space<hbm>> -> memref<1x10x125xi32, #tpu.memory_space<hbm>>
        %dma_start3A_104 = tpu.memref_squeeze %dma_start3A_103 : memref<1x10x125xi32, #tpu.memory_space<hbm>> -> memref<10x125xi32, #tpu.memory_space<hbm>>
        %dma_start3A_105 = arith.constant 0 : i32
        %dma_start3A_106 = arith.constant 0 : i32
        %dma_start3A_107 = tpu.memref_slice %arg2[%add3A_100, %dma_start3A_105, %dma_start3A_106] : memref<640x10x125xi32, #tpu.memory_space<hbm>> -> memref<1x10x125xi32, #tpu.memory_space<hbm>>
        %dma_start3A_108 = tpu.memref_squeeze %dma_start3A_107 : memref<1x10x125xi32, #tpu.memory_space<hbm>> -> memref<10x125xi32, #tpu.memory_space<hbm>>
        tpu.enqueue_dma source(%dma_start3A_108 : memref<10x125xi32, #tpu.memory_space<hbm>>) target(%arg7 : memref<10x125xi32, #tpu.memory_space<vmem>>) target_semaphore(%arg9 : memref<!tpu.dma_semaphore, #tpu.memory_space<semaphore_mem>>)
      } else {
      }
    }
    %scan3A_29 = arith.constant 10 : i32
    %scan3A_30 = arith.constant 0 : i32
    %scan3A_31 = arith.constant 10 : i32
    %scan3A_32 = arith.addi %scan3A_30, %scan3A_31 : i32
    %scan3A_33 = arith.constant 1 : i32
    scf.for %scan3A_40 = %scan3A_30 to %scan3A_32 step %scan3A_33  : i32 {
      %mul3A_41 = arith.constant 1 : i32
      %mul3A_42 = arith.muli %scan3A_40, %mul3A_41 : i32
      %add3A_43 = arith.constant 0 : i32
      %add3A_44 = arith.addi %add3A_43, %mul3A_42 : i32
      %dma_wait3A = arith.constant 0 : i32
      %dma_wait3A_45 = tpu.memref_slice %arg8[%add3A_44, %dma_wait3A] : memref<10x125xi32, #tpu.memory_space<vmem>> -> memref<1x125xi32, #tpu.memory_space<vmem>>
      %dma_wait3A_46 = tpu.memref_squeeze %dma_wait3A_45 : memref<1x125xi32, #tpu.memory_space<vmem>> -> memref<125xi32, #tpu.memory_space<vmem>>
      %dma_wait3A_47 = arith.constant 0 : i32
      %dma_wait3A_48 = arith.constant 0 : i32
      %dma_wait3A_49 = tpu.memref_slice %arg4[%dma_wait3A_47, %dma_wait3A_48] : memref<50048x16xf32, #tpu.memory_space<vmem_shared>> -> memref<50048x16xf32, #tpu.memory_space<vmem_shared>>
      tpu.wait_indirect_dma semaphore(%arg12 : memref<!tpu.dma_semaphore, #tpu.memory_space<semaphore_mem>>) src(%arg5 : memref<125x16xf32, #tpu.memory_space<vmem>>) dst(%dma_wait3A_49 : memref<50048x16xf32, #tpu.memory_space<vmem_shared>>)
    }
    %scan3A_34 = arith.constant 10 : i32
    %barrier3A_35 = arith.constant 0 : index
    tpu.barrier barrier_id(%barrier3A_35)
    %mul3A_36 = arith.constant 3128 : i32
    %mul3A_37 = arith.muli %arg1, %mul3A_36 : i32
    %mul3A_38 = arith.constant 3128 : i32
    %mul3A_39 = arith.muli %arg1, %mul3A_38 : i32
    "tpu.region"() ({
      %run_scoped3A = tpu.sem_alloc : memref<!tpu.dma_semaphore, #tpu.memory_space<semaphore_mem>>
      %dma_start3A_40 = arith.constant 0 : i32
      %dma_start3A_41 = arith.constant 0 : i32
      %dma_start3A_42 = tpu.memref_slice %arg3[%arg0, %dma_start3A_40, %dma_start3A_41] : memref<2x50048x16xf32, #tpu.memory_space<hbm>> -> memref<1x50048x16xf32, #tpu.memory_space<hbm>>
      %dma_start3A_43 = tpu.memref_squeeze %dma_start3A_42 : memref<1x50048x16xf32, #tpu.memory_space<hbm>> -> memref<50048x16xf32, #tpu.memory_space<hbm>>
      %dma_start3A_44 = arith.constant 0 : i32
      %dma_start3A_45 = tpu.memref_slice %dma_start3A_43[%mul3A_39, %dma_start3A_44] : memref<50048x16xf32, #tpu.memory_space<hbm>> -> memref<3128x16xf32, #tpu.memory_space<hbm>>
      %dma_start3A_46 = arith.constant 0 : i32
      %dma_start3A_47 = tpu.memref_slice %arg4[%mul3A_37, %dma_start3A_46] : memref<50048x16xf32, #tpu.memory_space<vmem_shared>> -> memref<3128x16xf32, #tpu.memory_space<vmem_shared>>
      tpu.enqueue_dma source(%dma_start3A_47 : memref<3128x16xf32, #tpu.memory_space<vmem_shared>>) target(%dma_start3A_45 : memref<3128x16xf32, #tpu.memory_space<hbm>>) target_semaphore(%run_scoped3A : memref<!tpu.dma_semaphore, #tpu.memory_space<semaphore_mem>>)
      %dma_wait3A = arith.constant 0 : i32
      %dma_wait3A_48 = arith.constant 0 : i32
      %dma_wait3A_49 = tpu.memref_slice %arg3[%arg0, %dma_wait3A, %dma_wait3A_48] : memref<2x50048x16xf32, #tpu.memory_space<hbm>> -> memref<1x50048x16xf32, #tpu.memory_space<hbm>>
      %dma_wait3A_50 = tpu.memref_squeeze %dma_wait3A_49 : memref<1x50048x16xf32, #tpu.memory_space<hbm>> -> memref<50048x16xf32, #tpu.memory_space<hbm>>
      %dma_wait3A_51 = arith.constant 0 : i32
      %dma_wait3A_52 = tpu.memref_slice %dma_wait3A_50[%mul3A_39, %dma_wait3A_51] : memref<50048x16xf32, #tpu.memory_space<hbm>> -> memref<3128x16xf32, #tpu.memory_space<hbm>>
      %dma_wait3A_53 = arith.constant 0 : i32
      %dma_wait3A_54 = tpu.memref_slice %arg4[%mul3A_37, %dma_wait3A_53] : memref<50048x16xf32, #tpu.memory_space<vmem_shared>> -> memref<3128x16xf32, #tpu.memory_space<vmem_shared>>
      tpu.wait_dma2 semaphore(%run_scoped3A : memref<!tpu.dma_semaphore, #tpu.memory_space<semaphore_mem>>) src(%dma_wait3A_54 : memref<3128x16xf32, #tpu.memory_space<vmem_shared>>) dst(%dma_wait3A_52 : memref<3128x16xf32, #tpu.memory_space<hbm>>)
      tpu.yield
    }) : () -> ()
    return
  }
}

</mosaic_0001>

<sc_bundles>
// kernel: _deg_kernel.3.cloned.1.call-start
scs
__scs_entry_jumppad:
0x0: {  	(pc) =	sbr.rel $0x88, $3  }
0x1: {  	(tag) =	ssettag $0x0;
	lr =	simm.s32 $0x1  }
0x2: {  	[smem:$0x3FA0] =	sst lr;
	_ =	strace $0xD0000000  }
0x3: {  	_ = 	snop  }
0x4: {  	_ = 	snop  }
0x5: {  	_ = 	snop  }
0x6: {  	_ = 	snop  }
0x7: {  	_ = 	snop  }
__scs_overlays_trampoline_lowered:
0x8: {  	[smem:$0x3FAF] =	sst s0  }
0x9: {  	[smem:$0x3FB0] =	sst s1  }
0xa: {  	[smem:$0x3FB1] =	sst s2  }
0xb: {  	[smem:$0x3FB2] =	sst s3  }
0xc: {  	[smem:$0x3FB3] =	sst s4  }
0xd: {  	[smem:$0x3FB4] =	sst s5  }
0xe: {  	[smem:$0x3FB5] =	sst s6  }
0xf: {  	[smem:$0x3FB6] =	sst s7  }
0x10: {  	[smem:$0x3FB7] =	sst s8  }
0x11: {  	[smem:$0x3FB8] =	sst s9;
	s0 =	simm.s32 @!p0 $0x0  }
0x12: {  	s1 =	sld [smem:$0x3F9E];
	s0 =	simm.s32 @p0 $0x1  }
0x13: {  	[smem:$0x3FB9] =	sst s0;
	s0 =	simm.s32 @!p1 $0x0  }
0x14: {  	s2 =	sld [smem:$0x3F9D];
	s0 =	simm.s32 @p1 $0x1  }
0x15: {  	[smem:$0x3FBA] =	sst s0;
	s0 =	simm.s32 @!p2 $0x0  }
0x16: {  	s3 =	sld [smem:$0x3FDB];
	s0 =	simm.s32 @p2 $0x1  }
0x17: {  	s4 =	simm.s32 $0x1BF5;
	[smem:$0x3FBC] =	sst s0  }
0x18: {  	s0 =	sld [smem:$0x3F9F];
	_ =	swait.ge [sflag:s4], $0x0  }
0x19: {  	s7 =	sld [smem:$0x3FA0]  }
0x1a: {  	s8 =	sadd.s32 $0xFFFFE003, lr  }
0x1b: {  	s9 =	sadd.s32 $0xFFFFFEF7, lr;
	s5 =	simm.s32 $0xFFFFFFFF;
	p2 =	slt.u32 s8, $0xFFFFF086  }
0x1c: {  	p1 =	slt.u32 s9, $0xF7A;
	s5 =	simm.s32 @!p2 $0x0  }
0x1d: {  	s5 =	simm.s32 @p1 $0x1;
	p0 =	seq.s32 s7, s2  }
0x1e: {  	s7 =	smul.u32 @!p0 $0xF7A, s2;
	p2 =	seq.s32 @!p0 s5, $0x0  }
0x1f: {  	s9 =	smul.u32 $0xF7A, s1;
	s8 =	simm.s32 @!p0 $0x1BF5;
	p2 =	por !p2, p0  }
0x20: {  	[sflag:s8] =	ssyncset.s32 @!p0 $0xFFFFF086;
	s6 =	sadd.s32 @!p0 s3, s7;
	s7 =	simm.s32 @!p0 $0x108  }
0x21: {  	s3 =	sadd.s32 s3, s9;
	s6 =	sadd.s32 @!p0 $0x88, s6;
	s7 =	simm.s32 @p2 $0x1082  }
0x22: {  	[simem:s7], [sflag:s8] =	dma.local @!p0 [hbm:s6], $0xF7A  }
0x23: {  	s9 =	sor.u32 $0xD0000000, s2;
	s6 =	simm.s32 $0x108;
	_ =	swait.ge @!p0 [sflag:s8], $0x0  }
0x24: {  	s3 =	sadd.s32 $0x88, s3;
	s6 =	simm.s32 @!p1 $0x1082;
	[sflag:s4] =	ssyncset.s32 $0xFFFFF086  }
0x25: {  	[simem:s6], [sflag:s4] =	dma.local [hbm:s3], $0xF7A  }
0x26: {  	[smem:$0x3FA0] =	sst s1;
	(tag) =	ssettag s2;
	_ =	strace s9  }
0x27: {  	s1 =	sld [smem:$0x3FB0]  }
0x28: {  	s2 =	sld [smem:$0x3FB1]  }
0x29: {  	s4 =	sld [smem:$0x3FB3]  }
0x2a: {  	p0 =	seq.s32 s5, $0x0;
	s5 =	sld [smem:$0x3FB4]  }
0x2b: {  	s6 =	sld [smem:$0x3FB5]  }
0x2c: {  	s7 =	sld [smem:$0x3FB6]  }
0x2d: {  	s3 =	simm.s32 $0x108;
	s8 =	sld [smem:$0x3FB7]  }
0x2e: {  	s3 =	simm.s32 @!p0 $0x1082;
	s9 =	sld [smem:$0x3FB8]  }
0x2f: {  	lr =	sadd.s32 s0, s3;
	s0 =	sld [smem:$0x3FAF]  }
0x30: {  	s3 =	sld [smem:$0x3FB2]  }
0x31: {  	[smem:$0x3FBB] =	sst s10  }
0x32: {  	s10 =	sld [smem:$0x3FB9];
	_ =	sdelay $0x3  }
0x33: {  	p0 =	seq.s32 s10, $0x1;
	s10 =	sld [smem:$0x3FBB];
	_ =	sdelay $0x3  }
0x34: {  	[smem:$0x3FBB] =	sst s10  }
0x35: {  	s10 =	sld [smem:$0x3FBA];
	_ =	sdelay $0x3  }
0x36: {  	p1 =	seq.s32 s10, $0x1;
	s10 =	sld [smem:$0x3FBB];
	_ =	sdelay $0x3  }
0x37: {  	[smem:$0x3FBB] =	sst s10  }
0x38: {  	s10 =	sld [smem:$0x3FBC]  }
0x39: {  	_ = 	snop;
	(pc) =	sbr.ind lr, $3  }
0x3a: {  	_ = 	snop  }
0x3b: {  	_ = 	snop  }
0x3c: {  	p2 =	seq.s32 s10, $0x1;
	s10 =	sld [smem:$0x3FBB]  }
0x3d: {  	_ =	shalt  }
0x3e: {  	_ =	shalt  }
0x3f: {  	_ =	shalt  }
0x40: {  	_ =	shalt  }
0x41: {  	_ =	shalt  }
0x42: {  	_ =	shalt  }
0x43: {  	_ =	shalt  }
0x44: {  	_ =	shalt  }
0x45: {  	_ =	shalt  }
0x46: {  	_ =	shalt  }
0x47: {  	_ =	shalt  }
0x48: {  	_ =	shalt  }
0x49: {  	_ =	shalt  }
0x4a: {  	_ =	shalt  }
0x4b: {  	_ =	shalt  }
0x4c: {  	_ =	shalt  }
0x4d: {  	_ =	shalt  }
0x4e: {  	_ =	shalt  }
0x4f: {  	_ =	shalt  }
0x50: {  	_ =	shalt  }
0x51: {  	_ =	shalt  }
0x52: {  	_ =	shalt  }
0x53: {  	_ =	shalt  }
0x54: {  	_ =	shalt  }
0x55: {  	_ =	shalt  }
0x56: {  	_ =	shalt  }
0x57: {  	_ =	shalt  }
0x58: {  	_ =	shalt  }
0x59: {  	_ =	shalt  }
0x5a: {  	_ =	shalt  }
0x5b: {  	_ =	shalt  }
0x5c: {  	_ =	shalt  }
0x5d: {  	_ =	shalt  }
0x5e: {  	_ =	shalt  }
0x5f: {  	_ =	shalt  }
0x60: {  	_ =	shalt  }
0x61: {  	_ =	shalt  }
0x62: {  	_ =	shalt  }
0x63: {  	_ =	shalt  }
0x64: {  	_ =	shalt  }
0x65: {  	_ =	shalt  }
0x66: {  	_ =	shalt  }
0x67: {  	_ =	shalt  }
0x68: {  	_ =	shalt  }
0x69: {  	_ =	shalt  }
0x6a: {  	_ =	shalt  }
0x6b: {  	_ =	shalt  }
0x6c: {  	_ =	shalt  }
0x6d: {  	_ =	shalt  }
0x6e: {  	_ =	shalt  }
0x6f: {  	_ =	shalt  }
0x70: {  	_ =	shalt  }
0x71: {  	_ =	shalt  }
0x72: {  	_ =	shalt  }
0x73: {  	_ =	shalt  }
0x74: {  	_ =	shalt  }
0x75: {  	_ =	shalt  }
0x76: {  	_ =	shalt  }
0x77: {  	_ =	shalt  }
0x78: {  	_ =	shalt  }
0x79: {  	_ =	shalt  }
0x7a: {  	_ =	shalt  }
0x7b: {  	_ =	shalt  }
0x7c: {  	_ =	shalt  }
0x7d: {  	_ =	shalt  }
0x7e: {  	_ =	shalt  }
0x7f: {  	_ =	shalt  }
0x80: {  	_ =	shalt  }
0x81: {  	_ =	shalt  }
0x82: {  	_ =	shalt  }
0x83: {  	_ =	shalt  }
0x84: {  	_ =	shalt  }
0x85: {  	_ =	shalt  }
0x86: {  	_ =	shalt  }
0x87: {  	_ =	shalt  }
.Lfunc_end0:
.L_simem_size_0:
called_computation_lowered:
.L_overlay_start_0:
0x88: {  	s2 =	sld [smem:$0x3FD9]  }
0x89: {  	s3 =	sld [smem:$0x3FFE];
	_ =	sdelay $0x1  }
0x8a: {  	s1 =	srdreg.scid  }
0x8b: {  	s0 =	sand.u32 $0x1, s1  }
0x8c: {  	s17 =	sshll.u32 s0, $0xA;
	s2 =	sadd.s32 s3, s2  }
0x8d: {  	s2 =	sadd.s32 s2, s17  }
0x8e: {  	[smem:$0x3FC7] =	sst s2  }
0x8f: {  	_ = 	snop  }
0x90: {  	s2 =	sld [smem:$0x3FD0];
	(tm) =	ssettm $0x1  }
0x91: {  	s18 =	sld [smem:$0x3FFB];
	_ =	sdelay $0x3  }
0x92: {  	_ =	strace s18  }
0x93: {  	s3 =	sld [smem:$0x3FFC];
	_ =	sdelay $0x3  }
0x94: {  	_ =	strace s3  }
0x95: {  	s3 =	sld [smem:$0x3FFD];
	_ =	sdelay $0x3  }
0x96: {  	_ =	strace s3  }
0x97: {  	_ =	strace $0x8FFFFFFF  }
0x98: {  	s19 =	sld [smem:$0x3FDB];
	_ =	sdelay $0x1  }
0x99: {  	s4 =	simm.s32 $_scs_section_size  }
0x9a: {  	s5 =	simm.s32 $_size__tile_overlayer_lowered;
	s6 =	simm.s32 $_tile_overlayer_lowered  }
0x9b: {  	s22 =	simm.s32 $0x1BFF;
	s21 =	sshll.u32 s6, $0x1;
	s3 =	sadd.s32 s4, s19  }
0x9c: {  	s7 =	simm.s32 $0x0;
	s20 =	sshll.u32 s5, $0x1;
	s5 =	sadd.s32 s21, s3  }
0x9d: {  	[timem:s7], [sflag:s22] =	dma.local [hbm:s5], s20  }
0x9e: {  	_ =	swait.ge [sflag:s22], s20  }
0x9f: {  	s4 =	ssub.s32 $0x0, s20;
	[sflag:s22] =	ssyncset.done $0x0  }
0xa0: {  	[sflag:s22] =	ssyncadd.s32 s4;
	_ =	sdelay $0x1  }
0xa1: {  	s23 =	simm.s32 $0x1B8B  }
0xa2: {  	_ =	swait.ge [sflag:s23], $0x1  }
0xa3: {  	[sflag:s23] =	ssyncset.done $0x0  }
0xa4: {  	s25 =	simm.s32 $0x1B8E;
	s24 =	sld [smem:$0x3FFE];
	[sflag:s23] =	ssyncadd.s32 $0xFFFFFFFF  }
0xa5: {  	s26 =	simm.s32 $execute0_lowered;
	[smem:$0x3FD2] =	sst s25  }
0xa6: {  	s5 =	sshll.u32 s26, $0x1;
	_ =	strace $0x80000046;
	[dreg:$0x1] =	wrdreg $0xFFFFFFFF  }
0xa7: {  	s28 =	simm.s32 $_size_execute0_lowered;
	s3 =	sadd.s32 s3, s5;
	[dreg:$0x0] =	wrdreg $0x0  }
0xa8: {  	s5 =	sshll.u32 s28, $0x1;
	[dreg:$0x2] =	wrdreg s3  }
0xa9: {  	[dreg:$0x3] =	wrdreg s5  }
0xaa: {  	[dreg:$0x4] =	wrdreg $0xC0  }
0xab: {  	_ =	task [dreg:s7], $0x5FFFF  }
0xac: {  	[dreg:$0x1] =	wrdreg $0xFFFFFFFF  }
0xad: {  	[dreg:$0x0] =	wrdreg $0x60  }
0xae: {  	[dreg:$0x2] =	wrdreg s24  }
0xaf: {  	[dreg:$0x3] =	wrdreg s2  }
0xb0: {  	[dreg:$0x4] =	wrdreg $0x0  }
0xb1: {  	[dreg:$0x5] =	wrdreg $0x9  }
0xb2: {  	_ =	task.clear_ibuf [dreg:s7], $0x6FFFF;
	_ =	strace $0x90000046  }
0xb3: {  	s29 =	simm.s32 $0x9;
	_ =	strace $0x80000048  }
0xb4: {  	_ =	swait.ge [sflag:s29], $0x1  }
0xb5: {  	[sflag:s29] =	ssyncadd.s32 $0xFFFFFFFF  }
0xb6: {  	_ =	strace $0x90000048  }
0xb7: {  	_ =	sfence  }
0xb8: {  	s30 =	sld [smem:$0x0];
	_ =	sdelay $0x2  }
0xb9: {  	s31 =	sshll.u32 s1, $0xD;
	s1 =	sshrl.u32 s1, $0x2  }
0xba: {  	s3 =	sand.u32 $0x4000, s31;
	s1 =	sadd.s32 s1, s30  }
0xbb: {  	s0 =	sor.u32 s3, s0;
	s1 =	sshll.u32 s1, $0x11  }
0xbc: {  	s0 =	sor.u32 s1, s0  }
0xbd: {  	s0 =	sadd.s32 $0x8F2B, s0  }
0xbe: {  	[sflag:s0] =	ssyncadd.remote.s32 $0x1  }
0xbf: {  	_ =	sfence.sel $0xFFFF  }
0xc0: {  	[dreg:$0x0] =	wrdreg $0xFFFFFFFF;
	(pc) =	sbr.abs _section_cstart, $3  }
0xc1: {  	[dreg:$0x1] =	wrdreg $0xFFFFFFFF  }
0xc2: {  	_ =	task.clear_ibuf [dreg:s7], $0x2FFFF;
	_ =	strace $0x9FFFFFFF  }
0xc3: {  	(tm) =	ssettm $0x7FFFFFFF  }
tec
execute0_lowered:
.L_overlay_start_1:
0x0: {  	(tag) =	ssettag $0x1  }
0x1: {  	s0 =	rddreg [dreg:$0x0]  }
0x2: {  	s2 =	rddreg [dreg:$0x1]  }
0x3: {  	s1 =	rddreg [dreg:$0x2]  }
0x4: {  	s3 =	simm.s32 $0x0;
	s4 =	srdreg.scid;
	s10 =	stileid.u32  }
0x5: {  	s14 =	simm.s32 $0x11950;
	s15 =	simm.s32 $0x1;
	s16 =	simm.s32 $0x7D  }
0x6: {  	s17 =	simm.s32 $0xC380;
	s28 =	simm.s32 $0x11DD0;
	s29 =	simm.s32 $0x11E50  }
0x7: {  	s30 =	simm.s32 $0x2;
	s31 =	simm.s32 $0x11ED0;
	s12 =	simm.s32 $0x3  }
0x8: {  	s19 =	simm.s32 $0x0;
	[smem:$0x7FF] =	sst s3;
	s7 =	smul.u32 $0xC380, s10  }
0x9: {  	s5 =	sand.u32 $0x1, s4;
	s4 =	sadd.s32 $0x400, s0;
	s8 =	smul.u32 $0x30E00, s10  }
0xa: {  	_ =	strace $0x80000047;
	s6 =	ssub.s32 $0x2, s5;
	s9 =	smul.u32 $0x64000, s5  }
0xb: {  	s21 =	sshll.u32 s5, $0x4;
	s5 =	smul.u32 $0x18700, s5;
	s20 =	sshrl.u32 s6, $0x1  }
0xc: {  	s8 =	sshrl.u32 s8, $0x2;
	s11 =	sadd.s32 s7, s1;
	s24 =	sshrl.u32 s7, $0x3  }
0xd: {  	s7 =	simm.s32 $0x120D0;
	s0 =	ssub.s32 s6, s20;
	s6 =	sor.u32 s10, s21  }
0xe: {  	s10 =	smul.u32 $0x6400, s10;
	[dreg:$0x4] =	wrdreg s11;
	s8 =	sadd.s32 s8, s1  }
0xf: {  	s2 =	sadd.s32 s2, s5;
	s20 =	simm.s32 $0x11AD0;
	s21 =	simm.s32 $0x11B50  }
0x10: {  	s5 =	simm.s32 $0x4;
	s6 =	smul.u32 $0xC80, s6;
	s22 =	sadd.s32 $0x4E00, s8  }
0x11: {  	s8 =	sadd.s32 $0x9C00, s8;
	s0 =	smax.u32 s0, $0x1;
	[dreg:$0x5] =	wrdreg s22  }
0x12: {  	s26 =	sadd.s32 s24, s2;
	s2 =	simm.s32 $0x11FD0;
	[dreg:$0x6] =	wrdreg s8  }
0x13: {  	s24 =	simm.s32 $0x122D0;
	s9 =	sadd.s32 s10, s9;
	[dreg:$0x8] =	wrdreg s0  }
0x14: {  	s22 =	simm.s32 $0x11BD0;
	[dreg:$0xa] =	wrdreg s26;
	s26 =	simm.s32 $0x11D50  }
.Ltmp0:
0x15: {  	s0 =	simm.s32 $0x11F50;
	s8 =	simm.s32 $0x12150;
	(pc) =	sbr.rel .LBB2_1-.Ltmp0, $4  }
0x16: {  	s10 =	simm.s32 $0x12250;
	s6 =	sadd.s32 s4, s6;
	s23 =	sadd.s32 $0x500, s9  }
0x17: {  	s25 =	sadd.s32 $0xA00, s9;
	s9 =	simm.s32 $0x121D0;
	[dreg:$0x7] =	wrdreg s6  }
0x18: {  	s6 =	sshrl.u32 s23, $0x3;
	[dreg:$0x9] =	wrdreg s25;
	s23 =	simm.s32 $0x11C50  }
0x19: {  	v0 =	vimm.f32 $1.000000000e+00;
	v1 =	vimm.f32 $0.0e+00;
	s25 =	simm.s32 $0x11CD0;
	s11 =	sadd.s32 s6, s4;
	s6 =	simm.s32 $0x12050  }
.LBB2_8:
0x1a: {  	_ =	swait.ge [sflag:s5], $0x7D0  }
0x1b: {  	[sflag:s5] =	ssyncset.done $0x0  }
0x1c: {  	[sflag:s5] =	ssyncadd.s32 $0xFFFFF830  }
0x1d: {  	_ =	swait.ge [sflag:s5], $0x7D0  }
0x1e: {  	[sflag:s5] =	ssyncset.done $0x0  }
0x1f: {  	[sflag:s5] =	ssyncadd.s32 $0xFFFFF830  }
0x20: {  	_ =	swait.ge [sflag:s5], $0x7D0  }
0x21: {  	[sflag:s5] =	ssyncset.done $0x0  }
0x22: {  	[sflag:s5] =	ssyncadd.s32 $0xFFFFF830  }
0x23: {  	_ =	swait.ge [sflag:s5], $0x7D0  }
0x24: {  	[sflag:s5] =	ssyncset.done $0x0  }
0x25: {  	[sflag:s5] =	ssyncadd.s32 $0xFFFFF830  }
0x26: {  	_ =	swait.ge [sflag:s5], $0x7D0  }
0x27: {  	[sflag:s5] =	ssyncset.done $0x0  }
0x28: {  	[sflag:s5] =	ssyncadd.s32 $0xFFFFF830  }
0x29: {  	_ =	swait.ge [sflag:s5], $0x7D0  }
0x2a: {  	[sflag:s5] =	ssyncset.done $0x0  }
0x2b: {  	[sflag:s5] =	ssyncadd.s32 $0xFFFFF830  }
0x2c: {  	_ =	swait.ge [sflag:s5], $0x7D0  }
0x2d: {  	[sflag:s5] =	ssyncset.done $0x0  }
0x2e: {  	[sflag:s5] =	ssyncadd.s32 $0xFFFFF830  }
0x2f: {  	_ =	swait.ge [sflag:s5], $0x7D0  }
0x30: {  	[sflag:s5] =	ssyncset.done $0x0  }
0x31: {  	[sflag:s5] =	ssyncadd.s32 $0xFFFFF830  }
0x32: {  	_ =	swait.ge [sflag:s5], $0x7D0  }
0x33: {  	[sflag:s5] =	ssyncset.done $0x0  }
0x34: {  	[sflag:s5] =	ssyncadd.s32 $0xFFFFF830  }
0x35: {  	_ =	swait.ge [sflag:s5], $0x7D0  }
0x36: {  	[sflag:s5] =	ssyncset.done $0x0  }
0x37: {  	[sflag:s5] =	ssyncadd.s32 $0xFFFFF830  }
0x38: {  	s13 =	stileid.u32;
	[bflag:$0x0] =	sbarrier.arrive $0xFFFF  }
0x39: {  	s13 =	sshll.u32 s13, $0x6;
	s18 =	rddreg [dreg:$0x4]  }
0x3a: {  	s13 =	sor.u32 $0x1C05, s13;
	s19 =	rddreg [dreg:$0xa];
	s18 =	sshrl.u32 s18, $0x3  }
0x3b: {  	[hbm:s19], [sflag:s13] =	dma.local [spmem:s18], $0x1870  }
0x3c: {  	s18 =	simm.s32 $0x5  }
0x3d: {  	_ =	swait.ge [sflag:s18], $0x1870  }
0x3e: {  	s13 =	rddreg [dreg:$0xb]  }
0x3f: {  	s19 =	sadd.s32 $0x1, s13;
	s13 =	rddreg [dreg:$0x8]  }
0x40: {  	p0 =	sne.s32 s19, s13  }
.Ltmp1:
0x41: {  	_ = 	snop;
	(pc) =	sbr.rel @!p0 .LBB2_9-.Ltmp1, $3  }
0x42: {  	_ =	sdelay $0x1  }
0x43: {  	[sflag:s18] =	ssyncset.done $0x0  }
0x44: {  	[sflag:s18] =	ssyncadd.s32 $0xFFFFE790  }
.LBB2_1:
0x45: {  	s13 =	simm.s32 $0x0  }
.LBB2_2:
0x46: {  	p0 =	sne.s32 s13, $0x1F00  }
.Ltmp2:
0x47: {  	_ = 	snop;
	(pc) =	sbr.rel @p0 .LBB2_2-.Ltmp2, $3  }
0x48: {  	_ =	sdelay $0x1  }
0x49: {  	s18 =	sshra.s32 s13, $0x2  }
0x4a: {  	s13 =	sadd.s32 $0x40, s13;
	[tilespmem:s18+$0xC380] =	vst v0  }
0x4b: {  	[dreg:$0xb] =	wrdreg s19;
	s13 =	simm.s32 $0x40;
	s18 =	simm.s32 $0x0  }
.LBB2_4:
0x4c: {  	p0 =	sne.s32 s13, $0x137C0;
	[tilespmem:s18+$0xCB50] =	vst v1;
	s18 =	smov.u32 s13;
	s13 =	sadd.s32 $0x40, s13  }
.Ltmp3:
0x4d: {  	(pc) =	sbr.rel @p0 .LBB2_4-.Ltmp3, $2  }
0x4e: {  	_ =	sdelay $0x2  }
0x4f: {  	s18 =	sshra.s32 s18, $0x2  }
0x50: {  	[tilespmem:s18+$0xCB50] =	vst v1;
	s13 =	rddreg [dreg:$0x4];
	s18 =	simm.s32 $0xCB50;
	s19 =	simm.s32 $0x5  }
0x51: {  	[spmem:s13] =	stream.linear.scatter [tilespmem:s18], [sflag:$0x5], $0x4E00, $0x38;
	[tilespmem:$0x12350] =	vst v63  }
0x52: {  	_ =	swait.ge [sflag:s19], $0x4E00  }
0x53: {  	[sflag:s19] =	ssyncset.done $0x0  }
0x54: {  	s13 =	rddreg [dreg:$0x5];
	[sflag:s19] =	ssyncadd.s32 $0xFFFFB200  }
0x55: {  	[spmem:s13] =	stream.linear.scatter [tilespmem:s18], [sflag:$0x5], $0x4E00, $0x38;
	[tilespmem:$0x12350] =	vst v63  }
0x56: {  	_ =	swait.ge [sflag:s19], $0x4E00  }
0x57: {  	[sflag:s19] =	ssyncset.done $0x0  }
0x58: {  	s13 =	rddreg [dreg:$0x6];
	[sflag:s19] =	ssyncadd.s32 $0xFFFFB200  }
0x59: {  	[spmem:s13] =	stream.linear.scatter [tilespmem:s18], [sflag:$0x5], $0x2780, $0x38;
	[tilespmem:$0x12350] =	vst v63  }
0x5a: {  	_ =	swait.ge [sflag:s19], $0x2780  }
0x5b: {  	[sflag:s19] =	ssyncset.done $0x0  }
0x5c: {  	[sflag:s19] =	ssyncadd.s32 $0xFFFFD880  }
0x5d: {  	[bflag:$0x0] =	sbarrier.arrive $0xFFFF  }
0x5e: {  	s19 =	rddreg [dreg:$0x7]  }
0x5f: {  	s13 =	simm.s32 $0x0;
	s18 =	rddreg [dreg:$0x9]  }
0x60: {  	[tilespmem:s14], [sflag:$0x1] =	stream.linear.gather [hbm4b:s19+s13], $0x500, $0x38;
	[tilespmem:$0x12350] =	vst v63  }
.LBB2_6:
0x61: {  	_ =	swait.ge [sflag:s15], $0x500  }
0x62: {  	[sflag:s15] =	ssyncset.done $0x0  }
0x63: {  	[sflag:s15] =	ssyncadd.s32 $0xFFFFFB00  }
0x64: {  	[spmem:s1] =	stream.indirect.scatter.add.f32 [tilespmem:s17], [sflag:$0x3], $0x10, s14, s16, $0xb8;
	[tilespmem:$0x12350] =	vst v63  }
0x65: {  	s19 =	simm.s32 $0x119D0  }
0x66: {  	[spmem:s1] =	stream.indirect.scatter.add.f32 [tilespmem:s17], [sflag:$0x3], $0x10, s19, s16, $0xb8;
	[tilespmem:$0x12350] =	vst v63  }
0x67: {  	s19 =	simm.s32 $0x11A50  }
0x68: {  	[spmem:s1] =	stream.indirect.scatter.add.f32 [tilespmem:s17], [sflag:$0x3], $0x10, s19, s16, $0xb8;
	[tilespmem:$0x12350] =	vst v63  }
0x69: {  	_ = 	snop  }
0x6a: {  	[spmem:s1] =	stream.indirect.scatter.add.f32 [tilespmem:s17], [sflag:$0x3], $0x10, s20, s16, $0xb8;
	[tilespmem:$0x12350] =	vst v63  }
0x6b: {  	_ = 	snop  }
0x6c: {  	[spmem:s1] =	stream.indirect.scatter.add.f32 [tilespmem:s17], [sflag:$0x3], $0x10, s21, s16, $0xb8;
	[tilespmem:$0x12350] =	vst v63  }
0x6d: {  	_ = 	snop  }
0x6e: {  	[spmem:s1] =	stream.indirect.scatter.add.f32 [tilespmem:s17], [sflag:$0x3], $0x10, s22, s16, $0xb8;
	[tilespmem:$0x12350] =	vst v63  }
0x6f: {  	_ = 	snop  }
0x70: {  	[spmem:s1] =	stream.indirect.scatter.add.f32 [tilespmem:s17], [sflag:$0x3], $0x10, s23, s16, $0xb8;
	[tilespmem:$0x12350] =	vst v63  }
0x71: {  	_ = 	snop  }
0x72: {  	[spmem:s1] =	stream.indirect.scatter.add.f32 [tilespmem:s17], [sflag:$0x3], $0x10, s25, s16, $0xb8;
	[tilespmem:$0x12350] =	vst v63  }
0x73: {  	p0 =	seq.s32 s13, $0x0  }
0x74: {  	[spmem:s1] =	stream.indirect.scatter.add.f32 [tilespmem:s17], [sflag:$0x3], $0x10, s26, s16, $0xb8;
	[tilespmem:$0x12350] =	vst v63  }
0x75: {  	s19 =	simm.s32 @!p0 $0x4  }
0x76: {  	[spmem:s1] =	stream.indirect.scatter.add.f32 [tilespmem:s17], [sflag:$0x3], $0x10, s28, s16, $0xb8;
	[tilespmem:$0x12350] =	vst v63  }
0x77: {  	_ =	swait.ge @!p0 [sflag:s19], $0x7D0  }
0x78: {  	[sflag:s19] =	ssyncset.done @!p0 $0x0  }
0x79: {  	[sflag:s19] =	ssyncadd.s32 @!p0 $0xFFFFF830  }
0x7a: {  	_ =	swait.ge @!p0 [sflag:s19], $0x7D0  }
0x7b: {  	[sflag:s19] =	ssyncset.done @!p0 $0x0  }
0x7c: {  	[sflag:s19] =	ssyncadd.s32 @!p0 $0xFFFFF830  }
0x7d: {  	_ =	swait.ge @!p0 [sflag:s19], $0x7D0  }
0x7e: {  	[sflag:s19] =	ssyncset.done @!p0 $0x0  }
0x7f: {  	[sflag:s19] =	ssyncadd.s32 @!p0 $0xFFFFF830  }
0x80: {  	_ =	swait.ge @!p0 [sflag:s19], $0x7D0  }
0x81: {  	[sflag:s19] =	ssyncset.done @!p0 $0x0  }
0x82: {  	[sflag:s19] =	ssyncadd.s32 @!p0 $0xFFFFF830  }
0x83: {  	_ =	swait.ge @!p0 [sflag:s19], $0x7D0  }
0x84: {  	[sflag:s19] =	ssyncset.done @!p0 $0x0  }
0x85: {  	[sflag:s19] =	ssyncadd.s32 @!p0 $0xFFFFF830  }
0x86: {  	_ =	swait.ge @!p0 [sflag:s19], $0x7D0  }
0x87: {  	[sflag:s19] =	ssyncset.done @!p0 $0x0  }
0x88: {  	[sflag:s19] =	ssyncadd.s32 @!p0 $0xFFFFF830  }
0x89: {  	_ =	swait.ge @!p0 [sflag:s19], $0x7D0  }
0x8a: {  	[sflag:s19] =	ssyncset.done @!p0 $0x0  }
0x8b: {  	[sflag:s19] =	ssyncadd.s32 @!p0 $0xFFFFF830  }
0x8c: {  	_ =	swait.ge @!p0 [sflag:s19], $0x7D0  }
0x8d: {  	[sflag:s19] =	ssyncset.done @!p0 $0x0  }
0x8e: {  	[sflag:s19] =	ssyncadd.s32 @!p0 $0xFFFFF830  }
0x8f: {  	_ =	swait.ge @!p0 [sflag:s19], $0x7D0  }
0x90: {  	[sflag:s19] =	ssyncset.done @!p0 $0x0  }
0x91: {  	[sflag:s19] =	ssyncadd.s32 @!p0 $0xFFFFF830  }
0x92: {  	_ =	swait.ge @!p0 [sflag:s19], $0x7D0  }
0x93: {  	[sflag:s19] =	ssyncset.done @!p0 $0x0  }
0x94: {  	[sflag:s19] =	ssyncadd.s32 @!p0 $0xFFFFF830;
	s19 =	sadd.s32 s13, s11  }
0x95: {  	[tilespmem:s29], [sflag:$0x2] =	stream.linear.gather [hbm4b:s19+s3], $0x500, $0x38;
	[tilespmem:$0x12350] =	vst v63  }
0x96: {  	_ =	swait.ge [sflag:s30], $0x500  }
0x97: {  	[sflag:s30] =	ssyncset.done $0x0  }
0x98: {  	[sflag:s30] =	ssyncadd.s32 $0xFFFFFB00  }
0x99: {  	[spmem:s1] =	stream.indirect.scatter.add.f32 [tilespmem:s17], [sflag:$0x4], $0x10, s29, s16, $0xb8;
	[tilespmem:$0x12350] =	vst v63  }
0x9a: {  	_ = 	snop  }
0x9b: {  	[spmem:s1] =	stream.indirect.scatter.add.f32 [tilespmem:s17], [sflag:$0x4], $0x10, s31, s16, $0xb8;
	[tilespmem:$0x12350] =	vst v63  }
0x9c: {  	_ = 	snop  }
0x9d: {  	[spmem:s1] =	stream.indirect.scatter.add.f32 [tilespmem:s17], [sflag:$0x4], $0x10, s0, s16, $0xb8;
	[tilespmem:$0x12350] =	vst v63  }
0x9e: {  	_ = 	snop  }
0x9f: {  	[spmem:s1] =	stream.indirect.scatter.add.f32 [tilespmem:s17], [sflag:$0x4], $0x10, s2, s16, $0xb8;
	[tilespmem:$0x12350] =	vst v63  }
0xa0: {  	_ = 	snop  }
0xa1: {  	[spmem:s1] =	stream.indirect.scatter.add.f32 [tilespmem:s17], [sflag:$0x4], $0x10, s6, s16, $0xb8;
	[tilespmem:$0x12350] =	vst v63  }
0xa2: {  	_ = 	snop  }
0xa3: {  	[spmem:s1] =	stream.indirect.scatter.add.f32 [tilespmem:s17], [sflag:$0x4], $0x10, s7, s16, $0xb8;
	[tilespmem:$0x12350] =	vst v63  }
0xa4: {  	_ = 	snop  }
0xa5: {  	[spmem:s1] =	stream.indirect.scatter.add.f32 [tilespmem:s17], [sflag:$0x4], $0x10, s8, s16, $0xb8;
	[tilespmem:$0x12350] =	vst v63  }
0xa6: {  	_ = 	snop  }
0xa7: {  	[spmem:s1] =	stream.indirect.scatter.add.f32 [tilespmem:s17], [sflag:$0x4], $0x10, s9, s16, $0xb8;
	[tilespmem:$0x12350] =	vst v63  }
0xa8: {  	_ = 	snop  }
0xa9: {  	[spmem:s1] =	stream.indirect.scatter.add.f32 [tilespmem:s17], [sflag:$0x4], $0x10, s10, s16, $0xb8;
	[tilespmem:$0x12350] =	vst v63  }
0xaa: {  	_ = 	snop  }
0xab: {  	[spmem:s1] =	stream.indirect.scatter.add.f32 [tilespmem:s17], [sflag:$0x4], $0x10, s24, s16, $0xb8;
	[tilespmem:$0x12350] =	vst v63  }
0xac: {  	_ =	swait.ge [sflag:s12], $0x7D0  }
0xad: {  	[sflag:s12] =	ssyncset.done $0x0  }
0xae: {  	[sflag:s12] =	ssyncadd.s32 $0xFFFFF830  }
0xaf: {  	_ =	swait.ge [sflag:s12], $0x7D0  }
0xb0: {  	[sflag:s12] =	ssyncset.done $0x0  }
0xb1: {  	[sflag:s12] =	ssyncadd.s32 $0xFFFFF830  }
0xb2: {  	_ =	swait.ge [sflag:s12], $0x7D0  }
0xb3: {  	[sflag:s12] =	ssyncset.done $0x0  }
0xb4: {  	[sflag:s12] =	ssyncadd.s32 $0xFFFFF830  }
0xb5: {  	_ =	swait.ge [sflag:s12], $0x7D0  }
0xb6: {  	[sflag:s12] =	ssyncset.done $0x0  }
0xb7: {  	[sflag:s12] =	ssyncadd.s32 $0xFFFFF830  }
0xb8: {  	_ =	swait.ge [sflag:s12], $0x7D0  }
0xb9: {  	[sflag:s12] =	ssyncset.done $0x0  }
0xba: {  	[sflag:s12] =	ssyncadd.s32 $0xFFFFF830  }
0xbb: {  	_ =	swait.ge [sflag:s12], $0x7D0  }
0xbc: {  	[sflag:s12] =	ssyncset.done $0x0  }
0xbd: {  	[sflag:s12] =	ssyncadd.s32 $0xFFFFF830  }
0xbe: {  	_ =	swait.ge [sflag:s12], $0x7D0  }
0xbf: {  	[sflag:s12] =	ssyncset.done $0x0  }
0xc0: {  	[sflag:s12] =	ssyncadd.s32 $0xFFFFF830  }
0xc1: {  	_ =	swait.ge [sflag:s12], $0x7D0  }
0xc2: {  	[sflag:s12] =	ssyncset.done $0x0  }
0xc3: {  	[sflag:s12] =	ssyncadd.s32 $0xFFFFF830  }
0xc4: {  	p0 =	seq.s32 s13, $0xB40;
	_ =	swait.ge [sflag:s12], $0x7D0  }
.Ltmp4:
0xc5: {  	[sflag:s12] =	ssyncset.done $0x0;
	(pc) =	sbr.rel @p0 .LBB2_8-.Ltmp4, $4  }
0xc6: {  	[sflag:s12] =	ssyncadd.s32 $0xFFFFF830  }
0xc7: {  	_ =	swait.ge [sflag:s12], $0x7D0  }
0xc8: {  	[sflag:s12] =	ssyncset.done $0x0  }
0xc9: {  	[sflag:s12] =	ssyncadd.s32 $0xFFFFF830  }
.Ltmp5:
0xca: {  	(pc) =	sbr.rel .LBB2_6-.Ltmp5, $4  }
0xcb: {  	_ = 	snop  }
0xcc: {  	s19 =	sshrl.u32 s18, $0x3  }
0xcd: {  	s18 =	sadd.s32 $0xA00, s18;
	s13 =	sadd.s32 $0x140, s13;
	s19 =	sadd.s32 s4, s19  }
0xce: {  	[tilespmem:s14], [sflag:$0x1] =	stream.linear.gather [hbm4b:s19+s3], $0x500, $0x38;
	[tilespmem:$0x12350] =	vst v63  }
.LBB2_9:
0xcf: {  	_ =	sfence.sel $0x180000  }
0xd0: {  	[bflag:$0x0] =	sbarrier.arrive $0xFFFF  }
0xd1: {  	_ =	strace $0x90000047  }
0xd2: {  	s0 =	stileid.u32;
	[bflag:$0x2] =	sbarrier.arrive $0xFFFF  }
0xd3: {  	p0 =	sne.s32 s0, $0x0;
	s0 =	rddreg [dreg:$0x3]  }
0xd4: {  	s0 =	sadd.s32 @!p0 $0x100000, s0  }
0xd5: {  	[sflag:s0] =	ssyncadd.tile.s32 @!p0 $0x1;
	_ =	shalt  }
.Lfunc_end2:
_tile_overlayer_lowered:
.L_overlay_start_2:
0xd6: {  	(tag) =	ssettag $0x2  }
0xd7: {  	s0 =	rddreg [dreg:$0x0];
	s2 =	stileid.u32  }
0xd8: {  	s1 =	rddreg [dreg:$0x1];
	p0 =	sne.s32 s2, $0x0  }
0xd9: {  	s3 =	rddreg [dreg:$0x2];
	[bflag:$0x3] =	sbarrier.arrive $0xFFFF;
	s2 =	simm.s32 @!p0 $0x1C05  }
0xda: {  	[timem:s3], [sflag:s2] =	dma.local @!p0 [hbm:s0], s1  }
0xdb: {  	s0 =	simm.s32 @!p0 $0x5  }
0xdc: {  	_ =	swait.ge @!p0 [sflag:s0], s1  }
0xdd: {  	s1 =	ssub.s32 @!p0 $0x0, s1;
	[sflag:s0] =	ssyncset.done @!p0 $0x0  }
0xde: {  	[sflag:s0] =	ssyncadd.s32 @!p0 s1  }
0xdf: {  	[bflag:$0x3] =	sbarrier.arrive $0xFFFF  }
0xe0: {  	_ =	shalt  }

</sc_bundles>
